<compile_context>
chip_gen: v7x
topology: tpu7x:2x2x1
jax: 0.10.2.dev20260603
libtpu: 0.0.44.dev20260713+nightly
codegen_flags: <defaults>
</compile_context>

<pallas_src>
import functools

import jax
import jax.numpy as jnp
from jax import lax
from jax.experimental import pallas as pl
from jax.experimental.pallas import tpu as pltpu
from jax.experimental.pallas import tpu_sc as plsc

E, D, C, B = 8, 2048, 1000, 1024
CP = 1024
BLK = 256
NB = B // BLK
T = NB + E - 1

_info = plsc.get_sparse_core_info()
_NC, _NS = _info.num_cores, _info.num_subcores
NW = _NC * _NS
BPW = B // NW

_sc_mesh = plsc.VectorSubcoreMesh(core_axis_name="c", subcore_axis_name="s")


@functools.partial(
    pl.kernel, mesh=_sc_mesh,
    out_type=jax.ShapeDtypeStruct((B, D), jnp.float32),
    scratch_types=[
        pltpu.VMEM((BPW,), jnp.int32),
        pltpu.VMEM((BPW, D), jnp.float32),
        pltpu.SemaphoreType.DMA,
    ],
)
def _sc_dispatch_rows(x_hbm, slot_hbm, out_hbm, idx_v, rows_v, sem):
    wid = lax.axis_index("s") * _NC + lax.axis_index("c")
    base = wid * BPW
    pltpu.sync_copy(slot_hbm.at[pl.ds(base, BPW)], idx_v)
    pltpu.sync_copy(x_hbm.at[pl.ds(base, BPW)], rows_v)
    pltpu.async_copy(rows_v, out_hbm.at[idx_v], sem).wait()


def _mm_body(rb_ref, ex_ref, vl_ref, ic_ref, xs_ref, w_ref, b_ref, slot_ref,
             o_ref, wb_ref):
    t = pl.program_id(0)
    ex = ex_ref[t]
    prev = jnp.maximum(t - 1, 0)
    new_w = jnp.logical_or(t == 0, ex_ref[t] != ex_ref[prev])

    @pl.when(t == 0)
    def _():
        o_ref[...] = jnp.zeros_like(o_ref)

    @pl.when(jnp.logical_and(new_w, vl_ref[t] == 1))
    def _():
        wb_ref[...] = w_ref[0].astype(jnp.bfloat16)

    @pl.when(vl_ref[t] == 1)
    def _():
        base = rb_ref[t] * BLK
        row = base + lax.broadcasted_iota(jnp.int32, (BLK, 1), 0)
        start = jnp.where(ex == 0, 0, ic_ref[jnp.maximum(ex - 1, 0)])
        mask = jnp.logical_and(row >= start, row < ic_ref[ex])
        xm = jnp.where(mask, xs_ref[...], 0.0).astype(jnp.bfloat16)
        y = lax.dot_general(xm, wb_ref[...], (((1,), (1,)), ((), ())),
                            preferred_element_type=jnp.float32)
        y = y + jnp.where(mask, b_ref[0], 0.0)
        pt = (slot_ref[...] == base +
              lax.broadcasted_iota(jnp.int32, (B, BLK), 1)).astype(jnp.bfloat16)
        o_ref[...] += jnp.dot(pt, y.astype(jnp.bfloat16),
                              preferred_element_type=jnp.float32)


def _grouped_mm(xs, W, b, slot2, rbs, exs, vld, incl):
    grid_spec = pltpu.PrefetchScalarGridSpec(
        num_scalar_prefetch=4,
        grid=(T,),
        in_specs=[
            pl.BlockSpec((BLK, D), lambda t, rb, ex, vl, ic: (rb[t], 0)),
            pl.BlockSpec((1, C, D), lambda t, rb, ex, vl, ic: (ex[t], 0, 0)),
            pl.BlockSpec((1, 1, C), lambda t, rb, ex, vl, ic: (ex[t], 0, 0)),
            pl.BlockSpec((B, 1), lambda t, rb, ex, vl, ic: (0, 0)),
        ],
        out_specs=pl.BlockSpec((B, C), lambda t, rb, ex, vl, ic: (0, 0)),
        scratch_shapes=[pltpu.VMEM((C, D), jnp.bfloat16)],
    )
    return pl.pallas_call(
        _mm_body, grid_spec=grid_spec,
        out_shape=jax.ShapeDtypeStruct((B, C), jnp.float32),
    )(rbs, exs, vld, incl, xs, jnp.transpose(W, (0, 2, 1)), b.reshape(E, 1, C),
      slot2)


def _routing(alpha, n):
    d = jax.random.categorical(
        jax.random.key(42), jnp.log(alpha), shape=(n,)).astype(jnp.int32)
    oh = (d[:, None] == jnp.arange(E, dtype=jnp.int32)[None, :]).astype(jnp.int32)
    counts = oh.sum(0)
    incl = jnp.cumsum(counts)
    offs = incl - counts
    pos = jnp.cumsum(oh, axis=0) - oh
    slotmat = (oh * (offs[None, :] + pos)).astype(jnp.int32)
    slot = slotmat.sum(1)
    slot2 = slotmat.sum(1, keepdims=True)
    ds = (jnp.arange(n, dtype=jnp.int32)[:, None] >= incl[None, :]).sum(1).astype(jnp.int32)

    lo = ds[::BLK]
    hi = ds[BLK - 1::BLK]
    npairs = hi - lo + 1
    starts = jnp.concatenate(
        [jnp.zeros((1,), jnp.int32), jnp.cumsum(npairs)[:-1].astype(jnp.int32)])
    total = starts[-1] + npairs[-1]
    t_idx = jnp.arange(T, dtype=jnp.int32)
    rb_t = jnp.clip((t_idx[:, None] >= starts[None, :]).sum(1).astype(jnp.int32) - 1,
                    0, NB - 1)
    ex_t = jnp.clip(lo[rb_t] + (t_idx - starts[rb_t]), 0, E - 1).astype(jnp.int32)
    vl_t = (t_idx < total).astype(jnp.int32)
    ex_t = jnp.where(vl_t == 1, ex_t, hi[-1])
    return slot, slot2, rb_t, ex_t, vl_t, incl


def kernel(x, W, b, alpha):
    n = x.shape[0]
    slot, slot2, rbs, exs, vld, incl = _routing(alpha, n)
    xs = _sc_dispatch_rows(x, slot)
    return _grouped_mm(xs, W, b, slot2, rbs, exs, vld, incl)

# --- scband reference (transcript-rebuilt; emitter-appended) ---
"""Pipeline reference for scband-randomized-ensemble-classifier-47047071760481 (READ-ONLY COPY).

The authoritative reference and input builder live on the scoring server;
editing this copy changes nothing except your own understanding.
"""

import jax, jax.numpy as jnp
import numpy as np

E = 8      # number of classifiers (experts)
D = 2048   # input feature dim
C = 1000   # output classes per classifier
B = 1024   # batch size (n_samples)


def setup_inputs(seed: int = 0) -> dict:
    key = jax.random.key(seed)
    k1, k2, k3 = jax.random.split(key, 3)
    x = jax.random.normal(k1, (B, D), dtype=jnp.float32)
    # Each classifier is a Linear(D, C): weight W[e] of shape (D, C), bias b[e] of shape (C,)
    W = jax.random.normal(k2, (E, D, C), dtype=jnp.float32) * (1.0 / np.sqrt(D))
    b = jax.random.normal(k3, (E, C), dtype=jnp.float32) * 0.01
    alpha = jnp.ones((E,), dtype=jnp.float32) / E
    return {"x": x, "W": W, "b": b, "alpha": alpha}


def reference(x, W, b, alpha):
    # Faithful translation of RandomizedEnsembleClassifier.forward:
    #   d = torch.multinomial(alpha, n_samples, replacement=True)
    #   out = cat([classifiers[d[i]](x[i:i+1]) for i in range(n)])
    n = x.shape[0]
    samp_key = jax.random.key(42)  # fixed key stands in for torch's RNG state
    d = jax.random.categorical(samp_key, jnp.log(alpha), shape=(n,))  # int32[n]
    # Compute every classifier's output for every sample, then select per-sample
    # (mathematically identical to applying classifiers[d[i]] to x[i]).
    all_out = jnp.einsum("nd,edc->enc", x, W) + b[:, None, :]  # [E, n, C]
    out = all_out[d, jnp.arange(n), :]                          # [n, C]
    return out

if __name__ == "__main__":
    import jax
    _d = setup_inputs()
    print(jax.jit(kernel)(*tuple(_d.values())))

</pallas_src>

<mosaic_0001>
#map = affine_map<(d0, d1) -> (0, 0)>
#map1 = affine_map<(d0, d1) -> (0)>
module attributes {stable_mosaic.version = 14 : i64} {
  func.func @_sc_dispatch_rows(%arg0: i32, %arg1: i32, %arg2: memref<1024x2048xf32, #tpu.memory_space<hbm>>, %arg3: memref<1024xi32, #tpu.memory_space<hbm>>, %arg4: memref<1024x2048xf32, #tpu.memory_space<hbm>>, %arg5: memref<32xi32, #tpu.memory_space<vmem>>, %arg6: memref<32x2048xf32, #tpu.memory_space<vmem>>, %arg7: memref<!tpu.dma_semaphore, #tpu.memory_space<semaphore_mem>>) attributes {dimension_semantics = [#tpu.dimension_semantics<core_parallel>, #tpu.dimension_semantics<subcore_parallel>], iteration_bounds = array<i64: 2, 16>, scalar_prefetch = 0 : i64, scratch_operands = 3 : i64, tpu.core_type = #tpu.core_type<sc_vector_subcore>, window_params = [{transform_indices = #map}, {transform_indices = #map1}, {transform_indices = #map}]} {
    %mul3A = arith.constant 2 : i32
    %mul3A_0 = arith.muli %arg1, %mul3A : i32
    %add3A = arith.addi %mul3A_0, %arg0 : i32
    %mul3A_1 = arith.constant 32 : i32
    %mul3A_2 = arith.muli %add3A, %mul3A_1 : i32
    "tpu.region"() ({
      %run_scoped3A = tpu.sem_alloc : memref<!tpu.dma_semaphore, #tpu.memory_space<semaphore_mem>>
      %dma_start3A_7 = tpu.memref_slice %arg3[%mul3A_2] : memref<1024xi32, #tpu.memory_space<hbm>> -> memref<32xi32, #tpu.memory_space<hbm>>
      %dma_start3A_8 = tpu.memref_slice %arg3[%mul3A_2] : memref<1024xi32, #tpu.memory_space<hbm>> -> memref<32xi32, #tpu.memory_space<hbm>>
      tpu.enqueue_dma source(%dma_start3A_8 : memref<32xi32, #tpu.memory_space<hbm>>) target(%arg5 : memref<32xi32, #tpu.memory_space<vmem>>) target_semaphore(%run_scoped3A : memref<!tpu.dma_semaphore, #tpu.memory_space<semaphore_mem>>)
      %dma_wait3A_9 = tpu.memref_slice %arg3[%mul3A_2] : memref<1024xi32, #tpu.memory_space<hbm>> -> memref<32xi32, #tpu.memory_space<hbm>>
      %dma_wait3A_10 = tpu.memref_slice %arg3[%mul3A_2] : memref<1024xi32, #tpu.memory_space<hbm>> -> memref<32xi32, #tpu.memory_space<hbm>>
      tpu.wait_dma2 semaphore(%run_scoped3A : memref<!tpu.dma_semaphore, #tpu.memory_space<semaphore_mem>>) src(%dma_wait3A_10 : memref<32xi32, #tpu.memory_space<hbm>>) dst(%arg5 : memref<32xi32, #tpu.memory_space<vmem>>)
      tpu.yield
    }) : () -> ()
    "tpu.region"() ({
      %run_scoped3A = tpu.sem_alloc : memref<!tpu.dma_semaphore, #tpu.memory_space<semaphore_mem>>
      %dma_start3A_7 = arith.constant 0 : i32
      %dma_start3A_8 = tpu.memref_slice %arg2[%mul3A_2, %dma_start3A_7] : memref<1024x2048xf32, #tpu.memory_space<hbm>> -> memref<32x2048xf32, #tpu.memory_space<hbm>>
      %dma_start3A_9 = arith.constant 0 : i32
      %dma_start3A_10 = tpu.memref_slice %arg2[%mul3A_2, %dma_start3A_9] : memref<1024x2048xf32, #tpu.memory_space<hbm>> -> memref<32x2048xf32, #tpu.memory_space<hbm>>
      tpu.enqueue_dma source(%dma_start3A_10 : memref<32x2048xf32, #tpu.memory_space<hbm>>) target(%arg6 : memref<32x2048xf32, #tpu.memory_space<vmem>>) target_semaphore(%run_scoped3A : memref<!tpu.dma_semaphore, #tpu.memory_space<semaphore_mem>>)
      %dma_wait3A_11 = arith.constant 0 : i32
      %dma_wait3A_12 = tpu.memref_slice %arg2[%mul3A_2, %dma_wait3A_11] : memref<1024x2048xf32, #tpu.memory_space<hbm>> -> memref<32x2048xf32, #tpu.memory_space<hbm>>
      %dma_wait3A_13 = arith.constant 0 : i32
      %dma_wait3A_14 = tpu.memref_slice %arg2[%mul3A_2, %dma_wait3A_13] : memref<1024x2048xf32, #tpu.memory_space<hbm>> -> memref<32x2048xf32, #tpu.memory_space<hbm>>
      tpu.wait_dma2 semaphore(%run_scoped3A : memref<!tpu.dma_semaphore, #tpu.memory_space<semaphore_mem>>) src(%dma_wait3A_14 : memref<32x2048xf32, #tpu.memory_space<hbm>>) dst(%arg6 : memref<32x2048xf32, #tpu.memory_space<vmem>>)
      tpu.yield
    }) : () -> ()
    %dma_start3A = arith.constant 0 : i32
    %dma_start3A_3 = arith.constant 0 : i32
    %dma_start3A_4 = tpu.memref_slice %arg4[%dma_start3A, %dma_start3A_3] : memref<1024x2048xf32, #tpu.memory_space<hbm>> -> memref<1024x2048xf32, #tpu.memory_space<hbm>>
    tpu.enqueue_indirect_dma source(%arg6 : memref<32x2048xf32, #tpu.memory_space<vmem>>) target(%dma_start3A_4 : memref<1024x2048xf32, #tpu.memory_space<hbm>>) offsets(%arg5 : memref<32xi32, #tpu.memory_space<vmem>>) semaphore(%arg7 : memref<!tpu.dma_semaphore, #tpu.memory_space<semaphore_mem>>)
    %dma_wait3A = arith.constant 0 : i32
    %dma_wait3A_5 = arith.constant 0 : i32
    %dma_wait3A_6 = tpu.memref_slice %arg4[%dma_wait3A, %dma_wait3A_5] : memref<1024x2048xf32, #tpu.memory_space<hbm>> -> memref<1024x2048xf32, #tpu.memory_space<hbm>>
    tpu.wait_indirect_dma semaphore(%arg7 : memref<!tpu.dma_semaphore, #tpu.memory_space<semaphore_mem>>) src(%arg6 : memref<32x2048xf32, #tpu.memory_space<vmem>>) dst(%dma_wait3A_6 : memref<1024x2048xf32, #tpu.memory_space<hbm>>)
    return
  }
}

module attributes {stable_mosaic.version = 14 : i64} {
  func.func @_mm_body(%arg0: i32, %arg1: memref<11xi32, #tpu.memory_space<smem>>, %arg2: memref<11xi32, #tpu.memory_space<smem>>, %arg3: memref<11xi32, #tpu.memory_space<smem>>, %arg4: memref<8xi32, #tpu.memory_space<smem>>, %arg5: memref<256x2048xf32, #tpu.memory_space<vmem>>, %arg6: memref<1x1000x2048xf32, #tpu.memory_space<vmem>>, %arg7: memref<1x1x1000xf32, #tpu.memory_space<vmem>>, %arg8: memref<1024x1xi32, #tpu.memory_space<vmem>>, %arg9: memref<1024x1000xf32, #tpu.memory_space<vmem>>, %arg10: memref<1000x2048xbf16, #tpu.memory_space<vmem>>) attributes {dimension_semantics = [#tpu.dimension_semantics<arbitrary>], iteration_bounds = array<i64: 11>, scalar_prefetch = 4 : i64, scratch_operands = 1 : i64, tpu.core_type = #tpu.core_type<tc>, window_params = [{transform_indices = @transform_0, window_bounds = array<i64: 256, 2048>}, {transform_indices = @transform_1, window_bounds = array<i64: 1, 1000, 2048>}, {transform_indices = @transform_2, window_bounds = array<i64: 1, 1, 1000>}, {pipeline_mode = #tpu.pipeline_mode<synchronous>, transform_indices = @transform_3, window_bounds = array<i64: 1024, 1>}, {pipeline_mode = #tpu.pipeline_mode<synchronous>, transform_indices = @transform_4, window_bounds = array<i64: 1024, 1000>}]} {
    %get3A = arith.index_cast %arg0 : i32 to index
    %get3A_0 = memref.load %arg2[%get3A] : memref<11xi32, #tpu.memory_space<smem>>
    %sub3A = arith.constant 1 : i32
    %sub3A_1 = arith.subi %arg0, %sub3A : i32
    %max3A = arith.constant 0 : i32
    %max3A_2 = arith.maxsi %sub3A_1, %max3A : i32
    %eq3A = arith.constant 0 : i32
    %eq3A_3 = arith.cmpi eq, %arg0, %eq3A : i32
    %get3A_4 = arith.index_cast %arg0 : i32 to index
    %get3A_5 = memref.load %arg2[%get3A_4] : memref<11xi32, #tpu.memory_space<smem>>
    %get3A_6 = arith.index_cast %max3A_2 : i32 to index
    %get3A_7 = memref.load %arg2[%get3A_6] : memref<11xi32, #tpu.memory_space<smem>>
    %ne3A = arith.cmpi ne, %get3A_5, %get3A_7 : i32
    %or3A = arith.ori %eq3A_3, %ne3A : i1
    %eq3A_8 = arith.constant 0 : i32
    %eq3A_9 = arith.cmpi eq, %arg0, %eq3A_8 : i32
    %convert_element_type3A = arith.extui %eq3A_9 : i1 to i32
    %cond3A = arith.constant 0 : i32
    %cond3A_10 = arith.cmpi ne, %convert_element_type3A, %cond3A : i32
    scf.if %cond3A_10 {
      %broadcast_in_dim3A = arith.constant 0.000000e+00 : f32
      %broadcast_in_dim3A_25 = vector.broadcast %broadcast_in_dim3A : f32 to vector<1024x1000xf32>
      %swap3A = arith.constant 0 : index
      %swap3A_26 = arith.constant 0 : index
      %swap3A_27 = vector.load %arg9[%swap3A, %swap3A_26] : memref<1024x1000xf32, #tpu.memory_space<vmem>>, vector<1024x1000xf32>
      tpu.vector_store %arg9[%swap3A, %swap3A_26], %broadcast_in_dim3A_25 {strides = array<i32>} : memref<1024x1000xf32, #tpu.memory_space<vmem>>, vector<1024x1000xf32>,
    } else {
    }
    %get3A_11 = arith.index_cast %arg0 : i32 to index
    %get3A_12 = memref.load %arg3[%get3A_11] : memref<11xi32, #tpu.memory_space<smem>>
    %eq3A_13 = arith.constant 1 : i32
    %eq3A_14 = arith.cmpi eq, %get3A_12, %eq3A_13 : i32
    %and3A = arith.andi %or3A, %eq3A_14 : i1
    %convert_element_type3A_15 = arith.extui %and3A : i1 to i32
    %cond3A_16 = arith.constant 0 : i32
    %cond3A_17 = arith.cmpi ne, %convert_element_type3A_15, %cond3A_16 : i32
    scf.if %cond3A_17 {
      %get3A_25 = arith.constant 0 : index
      %get3A_26 = arith.constant 0 : index
      %get3A_27 = arith.constant 0 : index
      %get3A_28 = vector.load %arg6[%get3A_25, %get3A_26, %get3A_27] : memref<1x1000x2048xf32, #tpu.memory_space<vmem>>, vector<1x1000x2048xf32>
      %get3A_29 = vector.shape_cast %get3A_28 : vector<1x1000x2048xf32> to vector<1000x2048xf32>
      %convert_element_type3A_30 = arith.truncf %get3A_29 : vector<1000x2048xf32> to vector<1000x2048xbf16>
      %swap3A = arith.constant 0 : index
      %swap3A_31 = arith.constant 0 : index
      %swap3A_32 = vector.load %arg10[%swap3A, %swap3A_31] : memref<1000x2048xbf16, #tpu.memory_space<vmem>>, vector<1000x2048xbf16>
      tpu.vector_store %arg10[%swap3A, %swap3A_31], %convert_element_type3A_30 {strides = array<i32>} : memref<1000x2048xbf16, #tpu.memory_space<vmem>>, vector<1000x2048xbf16>,
    } else {
    }
    %get3A_18 = arith.index_cast %arg0 : i32 to index
    %get3A_19 = memref.load %arg3[%get3A_18] : memref<11xi32, #tpu.memory_space<smem>>
    %eq3A_20 = arith.constant 1 : i32
    %eq3A_21 = arith.cmpi eq, %get3A_19, %eq3A_20 : i32
    %convert_element_type3A_22 = arith.extui %eq3A_21 : i1 to i32
    %cond3A_23 = arith.constant 0 : i32
    %cond3A_24 = arith.cmpi ne, %convert_element_type3A_22, %cond3A_23 : i32
    scf.if %cond3A_24 {
      %get3A_25 = arith.index_cast %arg0 : i32 to index
      %get3A_26 = memref.load %arg1[%get3A_25] : memref<11xi32, #tpu.memory_space<smem>>
      %mul3A = arith.constant 256 : i32
      %mul3A_27 = arith.muli %get3A_26, %mul3A : i32
      %iota3A = tpu.iota {dimensions = array<i32: 0>} : vector<256x1xi32>
      %add3A = vector.broadcast %mul3A_27 : i32 to vector<256x1xi32>
      %add3A_28 = arith.addi %add3A, %iota3A : vector<256x1xi32>
      %eq3A_29 = arith.constant 0 : i32
      %eq3A_30 = arith.cmpi eq, %get3A_0, %eq3A_29 : i32
      %sub3A_31 = arith.constant 1 : i32
      %sub3A_32 = arith.subi %get3A_0, %sub3A_31 : i32
      %max3A_33 = arith.constant 0 : i32
      %max3A_34 = arith.maxsi %sub3A_32, %max3A_33 : i32
      %get3A_35 = arith.index_cast %max3A_34 : i32 to index
      %get3A_36 = memref.load %arg4[%get3A_35] : memref<8xi32, #tpu.memory_space<smem>>
      %jit3A = arith.constant 0 : i32
      %select_n3A = arith.select %eq3A_30, %jit3A, %get3A_36 : i32
      %ge3A = vector.broadcast %select_n3A : i32 to vector<256x1xi32>
      %ge3A_37 = arith.cmpi sge, %add3A_28, %ge3A : vector<256x1xi32>
      %get3A_38 = arith.index_cast %get3A_0 : i32 to index
      %get3A_39 = memref.load %arg4[%get3A_38] : memref<8xi32, #tpu.memory_space<smem>>
      %lt3A = vector.broadcast %get3A_39 : i32 to vector<256x1xi32>
      %lt3A_40 = arith.cmpi slt, %add3A_28, %lt3A : vector<256x1xi32>
      %and3A_41 = arith.andi %ge3A_37, %lt3A_40 : vector<256x1xi1>
      %get3A_42 = arith.constant 0 : index
      %get3A_43 = arith.constant 0 : index
      %get3A_44 = vector.load %arg5[%get3A_42, %get3A_43] : memref<256x2048xf32, #tpu.memory_space<vmem>>, vector<256x2048xf32>
      %jit3A_45 = arith.constant 0.000000e+00 : f32
      %broadcast_in_dim3A = vector.shape_cast %and3A_41 : vector<256x1xi1> to vector<256x1xi1>
      %broadcast_in_dim3A_46 = vector.broadcast %broadcast_in_dim3A : vector<256x1xi1> to vector<256x2048xi1>
      %broadcast_in_dim3A_47 = vector.broadcast %jit3A_45 : f32 to vector<256x2048xf32>
      %select_n3A_48 = arith.select %broadcast_in_dim3A_46, %get3A_44, %broadcast_in_dim3A_47 : vector<256x2048xi1>, vector<256x2048xf32>
      %convert_element_type3A_49 = arith.truncf %select_n3A_48 : vector<256x2048xf32> to vector<256x2048xbf16>
      %get3A_50 = arith.constant 0 : index
      %get3A_51 = arith.constant 0 : index
      %get3A_52 = vector.load %arg10[%get3A_50, %get3A_51] : memref<1000x2048xbf16, #tpu.memory_space<vmem>>, vector<1000x2048xbf16>
      %dot_general3A = arith.constant dense<0.000000e+00> : vector<256x1000xf32>
      %dot_general3A_53 = tpu.matmul %convert_element_type3A_49, %get3A_52, %dot_general3A {dimension_numbers = #tpu.dot_dimension_numbers<[1], [1], [0], [0], [0, 0, 1, 0], [], []>, transpose_lhs_hint = false} : vector<256x2048xbf16>, vector<1000x2048xbf16>, vector<256x1000xf32> -> vector<256x1000xf32>
      %get3A_54 = arith.constant 0 : index
      %get3A_55 = arith.constant 0 : index
      %get3A_56 = arith.constant 0 : index
      %get3A_57 = vector.load %arg7[%get3A_54, %get3A_55, %get3A_56] : memref<1x1x1000xf32, #tpu.memory_space<vmem>>, vector<1x1x1000xf32>
      %get3A_58 = vector.shape_cast %get3A_57 : vector<1x1x1000xf32> to vector<1x1000xf32>
      %jit3A_59 = arith.constant 0.000000e+00 : f32
      %broadcast_in_dim3A_60 = vector.shape_cast %and3A_41 : vector<256x1xi1> to vector<256x1xi1>
      %broadcast_in_dim3A_61 = vector.broadcast %broadcast_in_dim3A_60 : vector<256x1xi1> to vector<256x1000xi1>
      %broadcast_in_dim3A_62 = vector.shape_cast %get3A_58 : vector<1x1000xf32> to vector<1x1000xf32>
      %broadcast_in_dim3A_63 = vector.broadcast %broadcast_in_dim3A_62 : vector<1x1000xf32> to vector<256x1000xf32>
      %broadcast_in_dim3A_64 = vector.broadcast %jit3A_59 : f32 to vector<256x1000xf32>
      %select_n3A_65 = arith.select %broadcast_in_dim3A_61, %broadcast_in_dim3A_63, %broadcast_in_dim3A_64 : vector<256x1000xi1>, vector<256x1000xf32>
      %add3A_66 = arith.addf %dot_general3A_53, %select_n3A_65 : vector<256x1000xf32>
      %get3A_67 = arith.constant 0 : index
      %get3A_68 = arith.constant 0 : index
      %get3A_69 = vector.load %arg8[%get3A_67, %get3A_68] : memref<1024x1xi32, #tpu.memory_space<vmem>>, vector<1024x1xi32>
      %iota3A_70 = tpu.iota {dimensions = array<i32: 1>} : vector<1024x256xi32>
      %add3A_71 = vector.broadcast %mul3A_27 : i32 to vector<1024x256xi32>
      %add3A_72 = arith.addi %add3A_71, %iota3A_70 : vector<1024x256xi32>
      %eq3A_73 = vector.broadcast %get3A_69 : vector<1024x1xi32> to vector<1024x256xi32>
      %eq3A_74 = arith.cmpi eq, %eq3A_73, %add3A_72 : vector<1024x256xi32>
      %convert_element_type3A_75 = arith.extui %eq3A_74 : vector<1024x256xi1> to vector<1024x256xi32>
      %convert_element_type3A_76 = arith.sitofp %convert_element_type3A_75 : vector<1024x256xi32> to vector<1024x256xf32>
      %convert_element_type3A_77 = arith.truncf %convert_element_type3A_76 : vector<1024x256xf32> to vector<1024x256xbf16>
      %get3A_78 = arith.constant 0 : index
      %get3A_79 = arith.constant 0 : index
      %get3A_80 = vector.load %arg9[%get3A_78, %get3A_79] : memref<1024x1000xf32, #tpu.memory_space<vmem>>, vector<1024x1000xf32>
      %convert_element_type3A_81 = arith.truncf %add3A_66 : vector<256x1000xf32> to vector<256x1000xbf16>
      %dot_general3A_82 = arith.constant dense<0.000000e+00> : vector<1024x1000xf32>
      %dot_general3A_83 = tpu.matmul %convert_element_type3A_77, %convert_element_type3A_81, %dot_general3A_82 {dimension_numbers = #tpu.dot_dimension_numbers<[1], [0], [0], [1], [0, 0, 1, 1], [], []>, transpose_lhs_hint = false} : vector<1024x256xbf16>, vector<256x1000xbf16>, vector<1024x1000xf32> -> vector<1024x1000xf32>
      %add3A_84 = arith.addf %get3A_80, %dot_general3A_83 : vector<1024x1000xf32>
      %swap3A = arith.constant 0 : index
      %swap3A_85 = arith.constant 0 : index
      %swap3A_86 = vector.load %arg9[%swap3A, %swap3A_85] : memref<1024x1000xf32, #tpu.memory_space<vmem>>, vector<1024x1000xf32>
      tpu.vector_store %arg9[%swap3A, %swap3A_85], %add3A_84 {strides = array<i32>} : memref<1024x1000xf32, #tpu.memory_space<vmem>>, vector<1024x1000xf32>,
    } else {
    }
    return
  }
  func.func @transform_0(%arg0: i32, %arg1: memref<11xi32, #tpu.memory_space<smem>>, %arg2: memref<11xi32, #tpu.memory_space<smem>>, %arg3: memref<11xi32, #tpu.memory_space<smem>>, %arg4: memref<8xi32, #tpu.memory_space<smem>>) -> (i32, i32) {
    %get3A = arith.index_cast %arg0 : i32 to index
    %get3A_0 = memref.load %arg1[%get3A] : memref<11xi32, #tpu.memory_space<smem>>
    %c0_i32 = arith.constant 0 : i32
    %c0_i32_1 = arith.constant 0 : i32
    return %get3A_0, %c0_i32 : i32, i32
  }
  func.func @transform_1(%arg0: i32, %arg1: memref<11xi32, #tpu.memory_space<smem>>, %arg2: memref<11xi32, #tpu.memory_space<smem>>, %arg3: memref<11xi32, #tpu.memory_space<smem>>, %arg4: memref<8xi32, #tpu.memory_space<smem>>) -> (i32, i32, i32) {
    %get3A = arith.index_cast %arg0 : i32 to index
    %get3A_0 = memref.load %arg2[%get3A] : memref<11xi32, #tpu.memory_space<smem>>
    %c0_i32 = arith.constant 0 : i32
    %c0_i32_1 = arith.constant 0 : i32
    %c0_i32_2 = arith.constant 0 : i32
    return %get3A_0, %c0_i32, %c0_i32_1 : i32, i32, i32
  }
  func.func @transform_2(%arg0: i32, %arg1: memref<11xi32, #tpu.memory_space<smem>>, %arg2: memref<11xi32, #tpu.memory_space<smem>>, %arg3: memref<11xi32, #tpu.memory_space<smem>>, %arg4: memref<8xi32, #tpu.memory_space<smem>>) -> (i32, i32, i32) {
    %get3A = arith.index_cast %arg0 : i32 to index
    %get3A_0 = memref.load %arg2[%get3A] : memref<11xi32, #tpu.memory_space<smem>>
    %c0_i32 = arith.constant 0 : i32
    %c0_i32_1 = arith.constant 0 : i32
    %c0_i32_2 = arith.constant 0 : i32
    return %get3A_0, %c0_i32, %c0_i32_1 : i32, i32, i32
  }
  func.func @transform_3(%arg0: i32, %arg1: memref<11xi32, #tpu.memory_space<smem>>, %arg2: memref<11xi32, #tpu.memory_space<smem>>, %arg3: memref<11xi32, #tpu.memory_space<smem>>, %arg4: memref<8xi32, #tpu.memory_space<smem>>) -> (i32, i32) {
    %c0_i32 = arith.constant 0 : i32
    %c0_i32_0 = arith.constant 0 : i32
    %c0_i32_1 = arith.constant 0 : i32
    return %c0_i32, %c0_i32_0 : i32, i32
  }
  func.func @transform_4(%arg0: i32, %arg1: memref<11xi32, #tpu.memory_space<smem>>, %arg2: memref<11xi32, #tpu.memory_space<smem>>, %arg3: memref<11xi32, #tpu.memory_space<smem>>, %arg4: memref<8xi32, #tpu.memory_space<smem>>) -> (i32, i32) {
    %c0_i32 = arith.constant 0 : i32
    %c0_i32_0 = arith.constant 0 : i32
    %c0_i32_1 = arith.constant 0 : i32
    return %c0_i32, %c0_i32_0 : i32, i32
  }
}

</mosaic_0001>

<sc_bundles>
// kernel: kernel.4.cloned.1.call-start
scs
__scs_entry_jumppad:
0x0: {  	(pc) =	sbr.rel $0x88, $3  }
0x1: {  	(tag) =	ssettag $0x0;
	lr =	simm.s32 $0x1  }
0x2: {  	[smem:$0x3F9D] =	sst lr;
	_ =	strace $0xD0000000  }
0x3: {  	_ = 	snop  }
0x4: {  	_ = 	snop  }
0x5: {  	_ = 	snop  }
0x6: {  	_ = 	snop  }
0x7: {  	_ = 	snop  }
__scs_overlays_trampoline_lowered:
0x8: {  	[smem:$0x3FAC] =	sst s0  }
0x9: {  	[smem:$0x3FAD] =	sst s1  }
0xa: {  	[smem:$0x3FAE] =	sst s2  }
0xb: {  	[smem:$0x3FAF] =	sst s3  }
0xc: {  	[smem:$0x3FB0] =	sst s4  }
0xd: {  	[smem:$0x3FB1] =	sst s5  }
0xe: {  	[smem:$0x3FB2] =	sst s6  }
0xf: {  	[smem:$0x3FB3] =	sst s7  }
0x10: {  	[smem:$0x3FB4] =	sst s8  }
0x11: {  	[smem:$0x3FB5] =	sst s9;
	s0 =	simm.s32 @!p0 $0x0  }
0x12: {  	s1 =	sld [smem:$0x3F9B];
	s0 =	simm.s32 @p0 $0x1  }
0x13: {  	[smem:$0x3FB6] =	sst s0;
	s0 =	simm.s32 @!p1 $0x0  }
0x14: {  	s2 =	sld [smem:$0x3F9A];
	s0 =	simm.s32 @p1 $0x1  }
0x15: {  	[smem:$0x3FB7] =	sst s0;
	s0 =	simm.s32 @!p2 $0x0  }
0x16: {  	s3 =	sld [smem:$0x3FDB];
	s0 =	simm.s32 @p2 $0x1  }
0x17: {  	s4 =	simm.s32 $0x1BF5;
	[smem:$0x3FB9] =	sst s0  }
0x18: {  	s0 =	sld [smem:$0x3F9C];
	_ =	swait.ge [sflag:s4], $0x0  }
0x19: {  	s7 =	sld [smem:$0x3F9D]  }
0x1a: {  	s8 =	sadd.s32 $0xFFFFE003, lr  }
0x1b: {  	s9 =	sadd.s32 $0xFFFFFEF7, lr;
	s5 =	simm.s32 $0xFFFFFFFF;
	p2 =	slt.u32 s8, $0xFFFFF086  }
0x1c: {  	p1 =	slt.u32 s9, $0xF7A;
	s5 =	simm.s32 @!p2 $0x0  }
0x1d: {  	s5 =	simm.s32 @p1 $0x1;
	p0 =	seq.s32 s7, s2  }
0x1e: {  	s7 =	smul.u32 @!p0 $0xF7A, s2;
	p2 =	seq.s32 @!p0 s5, $0x0  }
0x1f: {  	s9 =	smul.u32 $0xF7A, s1;
	s8 =	simm.s32 @!p0 $0x1BF5;
	p2 =	por !p2, p0  }
0x20: {  	[sflag:s8] =	ssyncset.s32 @!p0 $0xFFFFF086;
	s6 =	sadd.s32 @!p0 s3, s7;
	s7 =	simm.s32 @!p0 $0x108  }
0x21: {  	s3 =	sadd.s32 s3, s9;
	s6 =	sadd.s32 @!p0 $0x88, s6;
	s7 =	simm.s32 @p2 $0x1082  }
0x22: {  	[simem:s7], [sflag:s8] =	dma.local @!p0 [hbm:s6], $0xF7A  }
0x23: {  	s9 =	sor.u32 $0xD0000000, s2;
	s6 =	simm.s32 $0x108;
	_ =	swait.ge @!p0 [sflag:s8], $0x0  }
0x24: {  	s3 =	sadd.s32 $0x88, s3;
	s6 =	simm.s32 @!p1 $0x1082;
	[sflag:s4] =	ssyncset.s32 $0xFFFFF086  }
0x25: {  	[simem:s6], [sflag:s4] =	dma.local [hbm:s3], $0xF7A  }
0x26: {  	[smem:$0x3F9D] =	sst s1;
	(tag) =	ssettag s2;
	_ =	strace s9  }
0x27: {  	s1 =	sld [smem:$0x3FAD]  }
0x28: {  	s2 =	sld [smem:$0x3FAE]  }
0x29: {  	s4 =	sld [smem:$0x3FB0]  }
0x2a: {  	p0 =	seq.s32 s5, $0x0;
	s5 =	sld [smem:$0x3FB1]  }
0x2b: {  	s6 =	sld [smem:$0x3FB2]  }
0x2c: {  	s7 =	sld [smem:$0x3FB3]  }
0x2d: {  	s3 =	simm.s32 $0x108;
	s8 =	sld [smem:$0x3FB4]  }
0x2e: {  	s3 =	simm.s32 @!p0 $0x1082;
	s9 =	sld [smem:$0x3FB5]  }
0x2f: {  	lr =	sadd.s32 s0, s3;
	s0 =	sld [smem:$0x3FAC]  }
0x30: {  	s3 =	sld [smem:$0x3FAF]  }
0x31: {  	[smem:$0x3FB8] =	sst s10  }
0x32: {  	s10 =	sld [smem:$0x3FB6];
	_ =	sdelay $0x3  }
0x33: {  	p0 =	seq.s32 s10, $0x1;
	s10 =	sld [smem:$0x3FB8];
	_ =	sdelay $0x3  }
0x34: {  	[smem:$0x3FB8] =	sst s10  }
0x35: {  	s10 =	sld [smem:$0x3FB7];
	_ =	sdelay $0x3  }
0x36: {  	p1 =	seq.s32 s10, $0x1;
	s10 =	sld [smem:$0x3FB8];
	_ =	sdelay $0x3  }
0x37: {  	[smem:$0x3FB8] =	sst s10  }
0x38: {  	s10 =	sld [smem:$0x3FB9]  }
0x39: {  	_ = 	snop;
	(pc) =	sbr.ind lr, $3  }
0x3a: {  	_ = 	snop  }
0x3b: {  	_ = 	snop  }
0x3c: {  	p2 =	seq.s32 s10, $0x1;
	s10 =	sld [smem:$0x3FB8]  }
0x3d: {  	_ =	shalt  }
0x3e: {  	_ =	shalt  }
0x3f: {  	_ =	shalt  }
0x40: {  	_ =	shalt  }
0x41: {  	_ =	shalt  }
0x42: {  	_ =	shalt  }
0x43: {  	_ =	shalt  }
0x44: {  	_ =	shalt  }
0x45: {  	_ =	shalt  }
0x46: {  	_ =	shalt  }
0x47: {  	_ =	shalt  }
0x48: {  	_ =	shalt  }
0x49: {  	_ =	shalt  }
0x4a: {  	_ =	shalt  }
0x4b: {  	_ =	shalt  }
0x4c: {  	_ =	shalt  }
0x4d: {  	_ =	shalt  }
0x4e: {  	_ =	shalt  }
0x4f: {  	_ =	shalt  }
0x50: {  	_ =	shalt  }
0x51: {  	_ =	shalt  }
0x52: {  	_ =	shalt  }
0x53: {  	_ =	shalt  }
0x54: {  	_ =	shalt  }
0x55: {  	_ =	shalt  }
0x56: {  	_ =	shalt  }
0x57: {  	_ =	shalt  }
0x58: {  	_ =	shalt  }
0x59: {  	_ =	shalt  }
0x5a: {  	_ =	shalt  }
0x5b: {  	_ =	shalt  }
0x5c: {  	_ =	shalt  }
0x5d: {  	_ =	shalt  }
0x5e: {  	_ =	shalt  }
0x5f: {  	_ =	shalt  }
0x60: {  	_ =	shalt  }
0x61: {  	_ =	shalt  }
0x62: {  	_ =	shalt  }
0x63: {  	_ =	shalt  }
0x64: {  	_ =	shalt  }
0x65: {  	_ =	shalt  }
0x66: {  	_ =	shalt  }
0x67: {  	_ =	shalt  }
0x68: {  	_ =	shalt  }
0x69: {  	_ =	shalt  }
0x6a: {  	_ =	shalt  }
0x6b: {  	_ =	shalt  }
0x6c: {  	_ =	shalt  }
0x6d: {  	_ =	shalt  }
0x6e: {  	_ =	shalt  }
0x6f: {  	_ =	shalt  }
0x70: {  	_ =	shalt  }
0x71: {  	_ =	shalt  }
0x72: {  	_ =	shalt  }
0x73: {  	_ =	shalt  }
0x74: {  	_ =	shalt  }
0x75: {  	_ =	shalt  }
0x76: {  	_ =	shalt  }
0x77: {  	_ =	shalt  }
0x78: {  	_ =	shalt  }
0x79: {  	_ =	shalt  }
0x7a: {  	_ =	shalt  }
0x7b: {  	_ =	shalt  }
0x7c: {  	_ =	shalt  }
0x7d: {  	_ =	shalt  }
0x7e: {  	_ =	shalt  }
0x7f: {  	_ =	shalt  }
0x80: {  	_ =	shalt  }
0x81: {  	_ =	shalt  }
0x82: {  	_ =	shalt  }
0x83: {  	_ =	shalt  }
0x84: {  	_ =	shalt  }
0x85: {  	_ =	shalt  }
0x86: {  	_ =	shalt  }
0x87: {  	_ =	shalt  }
.Lfunc_end0:
.L_simem_size_0:
called_computation_lowered:
.L_overlay_start_0:
0x88: {  	s2 =	sld [smem:$0x3FD9]  }
0x89: {  	s3 =	sld [smem:$0x3FFE];
	_ =	sdelay $0x1  }
0x8a: {  	s1 =	srdreg.scid  }
0x8b: {  	s0 =	sand.u32 $0x1, s1  }
0x8c: {  	s17 =	sshll.u32 s0, $0xA;
	s2 =	sadd.s32 s3, s2  }
0x8d: {  	s2 =	sadd.s32 s2, s17  }
0x8e: {  	[smem:$0x3FC4] =	sst s2  }
0x8f: {  	_ = 	snop  }
0x90: {  	s2 =	sld [smem:$0x3FC9]  }
0x91: {  	s18 =	sld [smem:$0x3FD0];
	(tm) =	ssettm $0x1  }
0x92: {  	s4 =	sld [smem:$0x3FFB];
	_ =	sdelay $0x3  }
0x93: {  	_ =	strace s4  }
0x94: {  	s4 =	sld [smem:$0x3FFC];
	_ =	sdelay $0x3  }
0x95: {  	_ =	strace s4  }
0x96: {  	s4 =	sld [smem:$0x3FFD];
	_ =	sdelay $0x3  }
0x97: {  	_ =	strace s4  }
0x98: {  	_ =	strace $0x8FFFFFFF  }
0x99: {  	s19 =	sld [smem:$0x3FDB];
	_ =	sdelay $0x1  }
0x9a: {  	s5 =	simm.s32 $_scs_section_size  }
0x9b: {  	s6 =	simm.s32 $_size__tile_overlayer_lowered;
	s7 =	simm.s32 $_tile_overlayer_lowered  }
0x9c: {  	s22 =	simm.s32 $0x1BFF;
	s21 =	sshll.u32 s7, $0x1;
	s4 =	sadd.s32 s5, s19  }
0x9d: {  	s8 =	simm.s32 $0x0;
	s20 =	sshll.u32 s6, $0x1;
	s6 =	sadd.s32 s21, s4  }
0x9e: {  	[timem:s8], [sflag:s22] =	dma.local [hbm:s6], s20  }
0x9f: {  	_ =	swait.ge [sflag:s22], s20  }
0xa0: {  	s5 =	ssub.s32 $0x0, s20;
	[sflag:s22] =	ssyncset.done $0x0  }
0xa1: {  	[sflag:s22] =	ssyncadd.s32 s5;
	_ =	sdelay $0x1  }
0xa2: {  	s23 =	simm.s32 $0x1B8B  }
0xa3: {  	_ =	swait.ge [sflag:s23], $0x1  }
0xa4: {  	[sflag:s23] =	ssyncset.done $0x0  }
0xa5: {  	s25 =	simm.s32 $0x1B8E;
	s24 =	sld [smem:$0x3FFE];
	[sflag:s23] =	ssyncadd.s32 $0xFFFFFFFF  }
0xa6: {  	s26 =	simm.s32 $execute0_lowered;
	[smem:$0x3FD2] =	sst s25  }
0xa7: {  	s6 =	sshll.u32 s26, $0x1;
	_ =	strace $0x80000046;
	[dreg:$0x1] =	wrdreg $0xFFFFFFFF  }
0xa8: {  	s28 =	simm.s32 $_size_execute0_lowered;
	s4 =	sadd.s32 s4, s6;
	[dreg:$0x0] =	wrdreg $0x0  }
0xa9: {  	s6 =	sshll.u32 s28, $0x1;
	[dreg:$0x2] =	wrdreg s4  }
0xaa: {  	[dreg:$0x3] =	wrdreg s6  }
0xab: {  	[dreg:$0x4] =	wrdreg $0xC0  }
0xac: {  	_ =	task [dreg:s8], $0x5FFFF  }
0xad: {  	[dreg:$0x1] =	wrdreg $0xFFFFFFFF  }
0xae: {  	[dreg:$0x0] =	wrdreg $0x60  }
0xaf: {  	[dreg:$0x2] =	wrdreg s2  }
0xb0: {  	[dreg:$0x3] =	wrdreg s18  }
0xb1: {  	[dreg:$0x4] =	wrdreg s24  }
0xb2: {  	[dreg:$0x5] =	wrdreg $0x9  }
0xb3: {  	_ =	task.clear_ibuf [dreg:s8], $0x6FFFF;
	_ =	strace $0x90000046  }
0xb4: {  	s29 =	simm.s32 $0x9;
	_ =	strace $0x80000048  }
0xb5: {  	_ =	swait.ge [sflag:s29], $0x1  }
0xb6: {  	[sflag:s29] =	ssyncadd.s32 $0xFFFFFFFF  }
0xb7: {  	_ =	strace $0x90000048  }
0xb8: {  	_ =	sfence  }
0xb9: {  	s30 =	sld [smem:$0x0];
	_ =	sdelay $0x2  }
0xba: {  	s31 =	sshll.u32 s1, $0xD;
	s1 =	sshrl.u32 s1, $0x2  }
0xbb: {  	s3 =	sand.u32 $0x4000, s31;
	s1 =	sadd.s32 s1, s30  }
0xbc: {  	s0 =	sor.u32 s3, s0;
	s1 =	sshll.u32 s1, $0x11  }
0xbd: {  	s0 =	sor.u32 s1, s0  }
0xbe: {  	s0 =	sadd.s32 $0x8F2B, s0  }
0xbf: {  	[sflag:s0] =	ssyncadd.remote.s32 $0x1  }
0xc0: {  	_ =	sfence.sel $0xFFFF  }
0xc1: {  	[dreg:$0x0] =	wrdreg $0xFFFFFFFF;
	(pc) =	sbr.abs _section_cstart, $3  }
0xc2: {  	[dreg:$0x1] =	wrdreg $0xFFFFFFFF  }
0xc3: {  	_ =	task.clear_ibuf [dreg:s8], $0x2FFFF;
	_ =	strace $0x9FFFFFFF  }
0xc4: {  	(tm) =	ssettm $0x7FFFFFFF  }
0xc5: {  	_ =	shalt  }
tec
execute0_lowered:
.L_overlay_start_1:
0x0: {  	(tag) =	ssettag $0x1  }
0x1: {  	s1 =	rddreg [dreg:$0x0]  }
0x2: {  	s2 =	srdreg.scid;
	s4 =	rddreg [dreg:$0x1]  }
0x3: {  	s3 =	simm.s32 $0x0;
	s5 =	sand.u32 $0x1, s2;
	s2 =	rddreg [dreg:$0x2]  }
0x4: {  	s12 =	simm.s32 $0x880;
	[smem:$0x7FF] =	sst s3  }
0x5: {  	s13 =	simm.s32 $0x1080;
	_ =	strace $0x80000047;
	[dreg:$0x6] =	wrdreg s12  }
0x6: {  	s14 =	simm.s32 $0x1880;
	[dreg:$0x7] =	wrdreg s13  }
0x7: {  	s0 =	stileid.u32;
	s16 =	simm.s32 $0x2080;
	[dreg:$0x8] =	wrdreg s14  }
0x8: {  	s17 =	simm.s32 $0x2880;
	s18 =	simm.s32 $0x3080;
	[dreg:$0x9] =	wrdreg s16  }
0x9: {  	s19 =	simm.s32 $0x3880;
	s20 =	simm.s32 $0x4080;
	[dreg:$0xa] =	wrdreg s17  }
0xa: {  	s21 =	simm.s32 $0x4880;
	s22 =	simm.s32 $0x5080;
	[dreg:$0xb] =	wrdreg s18  }
0xb: {  	s23 =	simm.s32 $0x5880;
	s24 =	simm.s32 $0x6080;
	[dreg:$0xc] =	wrdreg s19  }
0xc: {  	s25 =	simm.s32 $0x6880;
	s26 =	simm.s32 $0x7080;
	[dreg:$0xd] =	wrdreg s20  }
0xd: {  	s28 =	simm.s32 $0xE080;
	s29 =	simm.s32 $0xE880;
	[dreg:$0xe] =	wrdreg s21  }
0xe: {  	s30 =	simm.s32 $0xF080;
	s31 =	simm.s32 $0xF880;
	[dreg:$0xf] =	wrdreg s22  }
0xf: {  	s6 =	sshll.u32 s0, $0x6;
	s7 =	sshll.u32 s5, $0x5;
	[dreg:$0x10] =	wrdreg s23  }
0x10: {  	s15 =	ssub.s32 $0x2, s5;
	s8 =	sadd.s32 $0x500, s2;
	[dreg:$0x11] =	wrdreg s24  }
0x11: {  	s9 =	sadd.s32 $0x600, s2;
	s10 =	sadd.s32 $0x700, s2;
	[dreg:$0x12] =	wrdreg s25  }
0x12: {  	s12 =	simm.s32 $0x2;
	s13 =	simm.s32 $0x80;
	[dreg:$0x13] =	wrdreg s26  }
0x13: {  	s16 =	simm.s32 $0x8880;
	s17 =	simm.s32 $0x9080;
	s18 =	simm.s32 $0x9880  }
0x14: {  	s19 =	simm.s32 $0xA080;
	s20 =	simm.s32 $0xA880;
	s21 =	simm.s32 $0xB080  }
0x15: {  	s22 =	simm.s32 $0xB880;
	s23 =	simm.s32 $0xC080;
	s24 =	simm.s32 $0xC880  }
0x16: {  	s25 =	simm.s32 $0xD080;
	s26 =	simm.s32 $0xD880;
	s6 =	sor.u32 s7, s6  }
0x17: {  	s5 =	sshrl.u32 s15, $0x1;
	s7 =	sshrl.u32 s6, $0x3;
	s6 =	sshll.u32 s6, $0x8  }
0x18: {  	s11 =	ssub.s32 s15, s5;
	s5 =	sadd.s32 $0x200, s2;
	s15 =	simm.s32 $0x8080  }
0x19: {  	v2 =	vlaneseq.u32;
	s4 =	sadd.s32 s4, s7;
	s1 =	sadd.s32 s1, s6;
	s6 =	sadd.s32 $0x300, s2  }
0x1a: {  	vm0 =	vmmov $0xffff;
	v1 =	vshrl.u32 v2, $0x3;
	s7 =	sadd.s32 $0x400, s2;
	s11 =	smax.u32 s11, $0x1;
	[dreg:$0x4] =	wrdreg s4  }
0x1b: {  	v0 =	vand.u32 $0x7, v2;
	v2 =	vor.u32 $0x8, v2;
	v1 =	vmul.u32 $0x8, v1;
	[dreg:$0x5] =	wrdreg s1;
	s4 =	sadd.s32 $0x100, s2;
	s1 =	simm.s32 $0x1  }
.LBB2_1:
0x1c: {  	s0 =	rddreg [dreg:$0x4]  }
0x1d: {  	[tilespmem:s3], [sflag:$0x2] =	stream.linear.gather [hbm4b:s0+s3], $0x20, $0x38;
	[tilespmem:$0x10080] =	vst v63  }
0x1e: {  	_ =	swait.ge [sflag:s12], $0x20  }
0x1f: {  	[sflag:s12] =	ssyncset.done $0x0  }
0x20: {  	s14 =	rddreg [dreg:$0x5];
	[sflag:s12] =	ssyncadd.s32 $0xFFFFFFE0  }
0x21: {  	[tilespmem:s13], [sflag:$0x2] =	stream.linear.gather [hbm4b:s14+s3], $0x10000, $0x38;
	[tilespmem:$0x10080] =	vst v63  }
0x22: {  	_ =	swait.ge [sflag:s12], $0x10000  }
0x23: {  	[sflag:s12] =	ssyncset.done $0x0  }
0x24: {  	[sflag:s12] =	ssyncadd.s32 $0xFFFF0000  }
0x25: {  	v3 =	vld [tilespmem:$0x0];
	_ =	sdelay $0x4  }
0x26: {  	v4 =	vshll.u32 v3, $0x4  }
0x27: {  	v3 =	vand.u32 $0x7, v3;
	v4 =	vand.u32 $0xFFFFFF80, v4  }
0x28: {  	v3 =	vor.u32 v3, v4  }
0x29: {  	v4 =	vperm.xlane v3, v0;
	_ =	sdelay $0x1  }
0x2a: {  	v4 =	vadd.s32 v1, v4;
	_ =	sdelay $0x4  }
0x2b: {  	[hbm4b:s2+s3] =	stream.indirect_vreg.scatter [tilespmem:s13], [sflag:$0x1], $0x80, v4, vm0, $0xb8;
	[tilespmem:$0x10080] =	vst v63  }
0x2c: {  	s0 =	rddreg [dreg:$0x6]  }
0x2d: {  	[hbm4b:s4+s3] =	stream.indirect_vreg.scatter [tilespmem:s0], [sflag:$0x1], $0x80, v4, vm0, $0xb8;
	[tilespmem:$0x10080] =	vst v63  }
0x2e: {  	s14 =	rddreg [dreg:$0x7]  }
0x2f: {  	[hbm4b:s5+s3] =	stream.indirect_vreg.scatter [tilespmem:s14], [sflag:$0x1], $0x80, v4, vm0, $0xb8;
	[tilespmem:$0x10080] =	vst v63  }
0x30: {  	s0 =	rddreg [dreg:$0x8]  }
0x31: {  	[hbm4b:s6+s3] =	stream.indirect_vreg.scatter [tilespmem:s0], [sflag:$0x1], $0x80, v4, vm0, $0xb8;
	[tilespmem:$0x10080] =	vst v63  }
0x32: {  	s14 =	rddreg [dreg:$0x9]  }
0x33: {  	[hbm4b:s7+s3] =	stream.indirect_vreg.scatter [tilespmem:s14], [sflag:$0x1], $0x80, v4, vm0, $0xb8;
	[tilespmem:$0x10080] =	vst v63  }
0x34: {  	v3 =	vperm.xlane v3, v2;
	s0 =	rddreg [dreg:$0xa]  }
0x35: {  	[hbm4b:s8+s3] =	stream.indirect_vreg.scatter [tilespmem:s0], [sflag:$0x1], $0x80, v4, vm0, $0xb8;
	[tilespmem:$0x10080] =	vst v63  }
0x36: {  	v3 =	vadd.s32 v1, v3;
	s14 =	rddreg [dreg:$0xb]  }
0x37: {  	[hbm4b:s9+s3] =	stream.indirect_vreg.scatter [tilespmem:s14], [sflag:$0x1], $0x80, v4, vm0, $0xb8;
	[tilespmem:$0x10080] =	vst v63  }
0x38: {  	s0 =	rddreg [dreg:$0xc]  }
0x39: {  	[hbm4b:s10+s3] =	stream.indirect_vreg.scatter [tilespmem:s0], [sflag:$0x1], $0x80, v4, vm0, $0xb8;
	[tilespmem:$0x10080] =	vst v63  }
0x3a: {  	s14 =	rddreg [dreg:$0xd]  }
0x3b: {  	[hbm4b:s2+s3] =	stream.indirect_vreg.scatter [tilespmem:s14], [sflag:$0x1], $0x80, v3, vm0, $0xb8;
	[tilespmem:$0x10080] =	vst v63  }
0x3c: {  	s0 =	rddreg [dreg:$0xe]  }
0x3d: {  	[hbm4b:s4+s3] =	stream.indirect_vreg.scatter [tilespmem:s0], [sflag:$0x1], $0x80, v3, vm0, $0xb8;
	[tilespmem:$0x10080] =	vst v63  }
0x3e: {  	s14 =	rddreg [dreg:$0xf]  }
0x3f: {  	[hbm4b:s5+s3] =	stream.indirect_vreg.scatter [tilespmem:s14], [sflag:$0x1], $0x80, v3, vm0, $0xb8;
	[tilespmem:$0x10080] =	vst v63  }
0x40: {  	s0 =	rddreg [dreg:$0x10]  }
0x41: {  	[hbm4b:s6+s3] =	stream.indirect_vreg.scatter [tilespmem:s0], [sflag:$0x1], $0x80, v3, vm0, $0xb8;
	[tilespmem:$0x10080] =	vst v63  }
0x42: {  	s14 =	rddreg [dreg:$0x11]  }
0x43: {  	[hbm4b:s7+s3] =	stream.indirect_vreg.scatter [tilespmem:s14], [sflag:$0x1], $0x80, v3, vm0, $0xb8;
	[tilespmem:$0x10080] =	vst v63  }
0x44: {  	s0 =	rddreg [dreg:$0x12]  }
0x45: {  	[hbm4b:s8+s3] =	stream.indirect_vreg.scatter [tilespmem:s0], [sflag:$0x1], $0x80, v3, vm0, $0xb8;
	[tilespmem:$0x10080] =	vst v63  }
0x46: {  	s14 =	rddreg [dreg:$0x13]  }
0x47: {  	[hbm4b:s9+s3] =	stream.indirect_vreg.scatter [tilespmem:s14], [sflag:$0x1], $0x80, v3, vm0, $0xb8;
	[tilespmem:$0x10080] =	vst v63  }
0x48: {  	s14 =	simm.s32 $0x7880  }
0x49: {  	[hbm4b:s10+s3] =	stream.indirect_vreg.scatter [tilespmem:s14], [sflag:$0x1], $0x80, v3, vm0, $0xb8;
	[tilespmem:$0x10080] =	vst v63  }
0x4a: {  	v3 =	vld [tilespmem:$0x10];
	_ =	sdelay $0x4  }
0x4b: {  	v63 =	vshll.u32 v3, $0x4  }
0x4c: {  	v3 =	vand.u32 $0x7, v3;
	v4 =	vand.u32 $0xFFFFFF80, v63  }
0x4d: {  	v3 =	vor.u32 v3, v4  }
0x4e: {  	v4 =	vperm.xlane v3, v0;
	_ =	sdelay $0x1  }
0x4f: {  	v4 =	vadd.s32 v1, v4;
	_ =	sdelay $0x4  }
0x50: {  	[hbm4b:s2+s3] =	stream.indirect_vreg.scatter [tilespmem:s15], [sflag:$0x1], $0x80, v4, vm0, $0xb8;
	[tilespmem:$0x10080] =	vst v63  }
0x51: {  	_ = 	snop  }
0x52: {  	[hbm4b:s4+s3] =	stream.indirect_vreg.scatter [tilespmem:s16], [sflag:$0x1], $0x80, v4, vm0, $0xb8;
	[tilespmem:$0x10080] =	vst v63  }
0x53: {  	_ = 	snop  }
0x54: {  	[hbm4b:s5+s3] =	stream.indirect_vreg.scatter [tilespmem:s17], [sflag:$0x1], $0x80, v4, vm0, $0xb8;
	[tilespmem:$0x10080] =	vst v63  }
0x55: {  	_ = 	snop  }
0x56: {  	[hbm4b:s6+s3] =	stream.indirect_vreg.scatter [tilespmem:s18], [sflag:$0x1], $0x80, v4, vm0, $0xb8;
	[tilespmem:$0x10080] =	vst v63  }
0x57: {  	_ = 	snop  }
0x58: {  	[hbm4b:s7+s3] =	stream.indirect_vreg.scatter [tilespmem:s19], [sflag:$0x1], $0x80, v4, vm0, $0xb8;
	[tilespmem:$0x10080] =	vst v63  }
0x59: {  	v3 =	vperm.xlane v3, v2  }
0x5a: {  	[hbm4b:s8+s3] =	stream.indirect_vreg.scatter [tilespmem:s20], [sflag:$0x1], $0x80, v4, vm0, $0xb8;
	[tilespmem:$0x10080] =	vst v63  }
0x5b: {  	v3 =	vadd.s32 v1, v3  }
0x5c: {  	[hbm4b:s9+s3] =	stream.indirect_vreg.scatter [tilespmem:s21], [sflag:$0x1], $0x80, v4, vm0, $0xb8;
	[tilespmem:$0x10080] =	vst v63  }
0x5d: {  	_ = 	snop  }
0x5e: {  	[hbm4b:s10+s3] =	stream.indirect_vreg.scatter [tilespmem:s22], [sflag:$0x1], $0x80, v4, vm0, $0xb8;
	[tilespmem:$0x10080] =	vst v63  }
0x5f: {  	_ = 	snop  }
0x60: {  	[hbm4b:s2+s3] =	stream.indirect_vreg.scatter [tilespmem:s23], [sflag:$0x1], $0x80, v3, vm0, $0xb8;
	[tilespmem:$0x10080] =	vst v63  }
0x61: {  	_ = 	snop  }
0x62: {  	[hbm4b:s4+s3] =	stream.indirect_vreg.scatter [tilespmem:s24], [sflag:$0x1], $0x80, v3, vm0, $0xb8;
	[tilespmem:$0x10080] =	vst v63  }
0x63: {  	_ = 	snop  }
0x64: {  	[hbm4b:s5+s3] =	stream.indirect_vreg.scatter [tilespmem:s25], [sflag:$0x1], $0x80, v3, vm0, $0xb8;
	[tilespmem:$0x10080] =	vst v63  }
0x65: {  	_ = 	snop  }
0x66: {  	[hbm4b:s6+s3] =	stream.indirect_vreg.scatter [tilespmem:s26], [sflag:$0x1], $0x80, v3, vm0, $0xb8;
	[tilespmem:$0x10080] =	vst v63  }
0x67: {  	_ = 	snop  }
0x68: {  	[hbm4b:s7+s3] =	stream.indirect_vreg.scatter [tilespmem:s28], [sflag:$0x1], $0x80, v3, vm0, $0xb8;
	[tilespmem:$0x10080] =	vst v63  }
0x69: {  	_ = 	snop  }
0x6a: {  	[hbm4b:s8+s3] =	stream.indirect_vreg.scatter [tilespmem:s29], [sflag:$0x1], $0x80, v3, vm0, $0xb8;
	[tilespmem:$0x10080] =	vst v63  }
0x6b: {  	p0 =	sne.s32 s11, $0x1  }
0x6c: {  	[hbm4b:s9+s3] =	stream.indirect_vreg.scatter [tilespmem:s30], [sflag:$0x1], $0x80, v3, vm0, $0xb8;
	[tilespmem:$0x10080] =	vst v63  }
.Ltmp0:
0x6d: {  	_ = 	snop;
	(pc) =	sbr.rel @p0 .LBB2_1-.Ltmp0, $4  }
0x6e: {  	[hbm4b:s10+s3] =	stream.indirect_vreg.scatter [tilespmem:s31], [sflag:$0x1], $0x80, v3, vm0, $0xb8;
	[tilespmem:$0x10080] =	vst v63  }
0x6f: {  	_ =	swait.ge [sflag:s1], $0x10000  }
0x70: {  	[sflag:s1] =	ssyncset.done $0x0  }
0x71: {  	s11 =	sadd.s32 $0xFFFFFFFF, s11;
	[sflag:s1] =	ssyncadd.s32 $0xFFFF0000  }
0x72: {  	_ =	sfence.sel $0x180000  }
0x73: {  	[bflag:$0x0] =	sbarrier.arrive $0xFFFF  }
0x74: {  	_ =	strace $0x90000047  }
0x75: {  	s0 =	stileid.u32;
	[bflag:$0x2] =	sbarrier.arrive $0xFFFF  }
0x76: {  	p0 =	sne.s32 s0, $0x0;
	s0 =	rddreg [dreg:$0x3]  }
0x77: {  	s0 =	sadd.s32 @!p0 $0x100000, s0  }
0x78: {  	[sflag:s0] =	ssyncadd.tile.s32 @!p0 $0x1;
	_ =	shalt  }
.Lfunc_end2:
_tile_overlayer_lowered:
.L_overlay_start_2:
0x79: {  	(tag) =	ssettag $0x2  }
0x7a: {  	s0 =	rddreg [dreg:$0x0];
	s2 =	stileid.u32  }
0x7b: {  	s1 =	rddreg [dreg:$0x1];
	p0 =	sne.s32 s2, $0x0  }
0x7c: {  	s3 =	rddreg [dreg:$0x2];
	[bflag:$0x3] =	sbarrier.arrive $0xFFFF;
	s2 =	simm.s32 @!p0 $0x1C02  }
0x7d: {  	[timem:s3], [sflag:s2] =	dma.local @!p0 [hbm:s0], s1  }
0x7e: {  	s0 =	simm.s32 @!p0 $0x2  }
0x7f: {  	_ =	swait.ge @!p0 [sflag:s0], s1  }
0x80: {  	s1 =	ssub.s32 @!p0 $0x0, s1;
	[sflag:s0] =	ssyncset.done @!p0 $0x0  }
0x81: {  	[sflag:s0] =	ssyncadd.s32 @!p0 s1  }
0x82: {  	[bflag:$0x3] =	sbarrier.arrive $0xFFFF  }
0x83: {  	_ =	shalt  }

</sc_bundles>
